<compile_context>
chip_gen: v7x
topology: tpu7x:2x2x1
jax: 0.10.2.dev20260603
libtpu: 0.0.44.dev20260713+nightly
codegen_flags: <defaults>
</compile_context>

<pallas_src>
import functools

import jax
import jax.numpy as jnp
from jax.experimental import pallas as pl
from jax.experimental.pallas import tpu as pltpu

B, N = 32, 512
TI = 256


def _fused_kernel(cf_ref, tour_ref, tnext_ref, wrow_ref, q_ref, p0_ref,
                  p_ref, yp_ref, xev_ref, lsum_ref):
    b = pl.program_id(0)
    r = pl.program_id(1)

    wc0 = p_ref[0]
    wc1 = p_ref[1]
    emb1 = p_ref[2]
    we0 = p_ref[3]
    we1 = p_ref[4]
    be0 = p_ref[5]
    be1 = p_ref[6]

    cf = cf_ref[0, :, :]
    we_row = wrow_ref[0, 0:1, :]
    be_row = wrow_ref[0, 1:2, :]
    qm = q_ref[0]
    p0m = p0_ref[0]

    xy = jnp.dot(cf, qm, preferred_element_type=jnp.float32)
    x_row = xy[:, :N]
    y_row = xy[:, N:]
    xcol = jnp.transpose(x_row)
    ycol = jnp.transpose(y_row)
    sel_row = (jax.lax.broadcasted_iota(jnp.int32, (TI, N), 0) + r * TI
               == jax.lax.broadcasted_iota(jnp.int32, (TI, N), 1))
    sel_row = sel_row.astype(jnp.float32)
    xt_col = jnp.dot(sel_row, xcol, preferred_element_type=jnp.float32)
    yt_col = jnp.dot(sel_row, ycol, preferred_element_type=jnp.float32)

    dx = xt_col - x_row
    dy = yt_col - y_row
    d = jnp.sqrt(dx * dx + dy * dy)
    xev_ref[0, :, :] = d

    s_row = x_row * wc0 + y_row * wc1 + emb1
    st_col = xt_col * wc0 + yt_col * wc1 + emb1
    s2 = jnp.dot(s_row, p0m, preferred_element_type=jnp.float32)
    d2 = jnp.dot(d, p0m, preferred_element_type=jnp.float32)
    yp_ref[0, :, :] = d2 * we_row + (be_row + s2) + st_col

    tour = tour_ref[0, 0, :]
    tnext = tnext_ref[0, 0, :]
    col_full = jax.lax.broadcasted_iota(jnp.int32, (N, N), 1)
    col_tile = jax.lax.broadcasted_iota(jnp.int32, (N, TI), 1) + r * TI
    a_full = (tour[:, None] == col_full).astype(jnp.bfloat16)
    bn_full = (tnext[:, None] == col_full).astype(jnp.bfloat16)
    a_tile = (tour[:, None] == col_tile).astype(jnp.bfloat16)
    bn_tile = (tnext[:, None] == col_tile).astype(jnp.bfloat16)
    dn = (((0,), (0,)), ((), ()))
    m_fwd = jax.lax.dot_general(a_tile, bn_full, dn,
                                preferred_element_type=jnp.float32)
    m_bwd = jax.lax.dot_general(bn_tile, a_full, dn,
                                preferred_element_type=jnp.float32)
    mask = (m_fwd + m_bwd) > 0.0

    a0 = d * we0 + be0
    a1 = d * we1 + be1
    mx = jnp.maximum(a0, a1)
    lse = mx + jnp.log1p(jnp.exp(jnp.minimum(a0, a1) - mx))
    sel = jnp.where(mask, a1, a0) - lse

    @pl.when((b == 0) & (r == 0))
    def _():
        lsum_ref[0, 0] = 0.0

    lsum_ref[0, 0] += jnp.sum(sel)


@functools.partial(jax.jit, static_argnames=("interpret",))
def kernel(x_nodes_coord, y_tour, w_coord, emb, w_e, b_e, interpret=False):
    cf = x_nodes_coord.reshape(B, 1, 2 * N)
    tour = y_tour.reshape(B, 1, N)
    tnext = jnp.roll(y_tour, -1, axis=-1).reshape(B, 1, N)
    wrow = jnp.stack([jnp.tile(w_e, N), jnp.tile(b_e, N)]).reshape(1, 2, 2 * N)
    c2 = jnp.arange(2 * N, dtype=jnp.int32)
    jn = jnp.arange(N, dtype=jnp.int32)
    q = jnp.concatenate(
        [(c2[:, None] == 2 * jn[None, :]),
         (c2[:, None] == 2 * jn[None, :] + 1)], axis=1)
    q = q.astype(jnp.float32).reshape(1, 2 * N, 2 * N)
    p0 = (c2[None, :] // 2 == jn[:, None]).astype(jnp.float32)
    p0 = p0.reshape(1, N, 2 * N)
    params = jnp.stack([w_coord[0], w_coord[1], emb[1],
                        w_e[0], w_e[1], b_e[0], b_e[1]])

    full_spec = pl.BlockSpec((1, 1, N), lambda b, r: (b, 0, 0))
    yp, xev, lsum = pl.pallas_call(
        _fused_kernel,
        grid=(B, N // TI),
        in_specs=[pl.BlockSpec((1, 1, 2 * N), lambda b, r: (b, 0, 0)),
                  full_spec, full_spec,
                  pl.BlockSpec((1, 2, 2 * N), lambda b, r: (0, 0, 0)),
                  pl.BlockSpec((1, 2 * N, 2 * N), lambda b, r: (0, 0, 0)),
                  pl.BlockSpec((1, N, 2 * N), lambda b, r: (0, 0, 0)),
                  pl.BlockSpec(memory_space=pltpu.SMEM)],
        out_specs=[
            pl.BlockSpec((1, TI, 2 * N), lambda b, r: (b, r, 0)),
            pl.BlockSpec((1, TI, N), lambda b, r: (b, r, 0)),
            pl.BlockSpec((1, 1), lambda b, r: (0, 0), memory_space=pltpu.SMEM),
        ],
        out_shape=[
            jax.ShapeDtypeStruct((B, N, 2 * N), jnp.float32),
            jax.ShapeDtypeStruct((B, N, N), jnp.float32),
            jax.ShapeDtypeStruct((1, 1), jnp.float32),
        ],
        interpret=interpret,
    )(cf, tour, tnext, wrow, q, p0, params)

    y_preds = yp.reshape(B, N, N, 2)
    loss = -lsum[0, 0] / jnp.float32(B * N * N)
    return (y_preds, loss, xev)

# --- scband reference (transcript-rebuilt; emitter-appended) ---
"""Pipeline reference for scband-prep-wrap-residual-gated-gcnmodel-53163105190158 (READ-ONLY COPY).

The authoritative reference and input builder live on the scoring server;
editing this copy changes nothing except your own understanding.
"""

import jax, jax.numpy as jnp
import numpy as np

B, N = 32, 512

def setup_inputs(seed: int = 0) -> dict:
    key = jax.random.key(seed)
    k1, k2, k3, k4, k5, k6 = jax.random.split(key, 6)
    x_nodes_coord = jax.random.uniform(k1, (B, N, 2), dtype=jnp.float32)
    y_tour = jax.random.randint(k2, (B, N), 0, N, dtype=jnp.int32)
    # surrogate inner-model parameters (stand-in for ResidualGatedGCNModel)
    w_coord = jax.random.normal(k3, (2,), dtype=jnp.float32) * 0.1
    emb = jax.random.normal(k4, (3,), dtype=jnp.float32) * 0.1
    w_e = jax.random.normal(k5, (2,), dtype=jnp.float32) * 0.1
    b_e = jax.random.normal(k6, (2,), dtype=jnp.float32) * 0.1
    return {"x_nodes_coord": x_nodes_coord, "y_tour": y_tour,
            "w_coord": w_coord, "emb": emb, "w_e": w_e, "b_e": b_e}


def reference(x_nodes_coord, y_tour, w_coord, emb, w_e, b_e):
    b, n, _ = x_nodes_coord.shape
    # x_nodes_timew is None -> undirected TSP path
    x_nodes = jnp.ones((b, n), dtype=jnp.int32)
    # cdist (donot_use_mm_for_euclid_dist): explicit pairwise euclidean
    diff = x_nodes_coord[:, :, None, :] - x_nodes_coord[:, None, :, :]
    x_edges_values = jnp.sqrt(jnp.sum(diff * diff, axis=-1))
    # x_edges = (eye + 1) expanded to batch
    x_edges = jnp.broadcast_to((jnp.eye(n, dtype=jnp.int32) + 1)[None, :, :], (b, n, n))
    # y_edges scatter from tour: y_edges[rng, y_tour, y_tour_next] = 1 (and symmetric)
    y_tour_next = jnp.roll(y_tour, -1, axis=-1)
    rng = jnp.arange(b, dtype=jnp.int32)[:, None]
    y_edges = jnp.zeros((b, n, n), dtype=jnp.int32)
    y_edges = y_edges.at[rng, y_tour, y_tour_next].set(1)
    y_edges = y_edges.at[rng, y_tour_next, y_tour].set(1)  # undirected
    # surrogate ResidualGatedGCN: node features + edge-value-based 2-class edge logits
    node_s = x_nodes_coord @ w_coord + jnp.take(emb, x_nodes, axis=0)
    y_preds = (x_edges_values[..., None] * w_e + b_e
               + node_s[:, :, None, None] + node_s[:, None, :, None])  # [B,N,N,2]
    logp = jax.nn.log_softmax(y_preds, axis=-1)
    sel = jnp.take_along_axis(logp, y_edges[..., None], axis=-1)[..., 0]
    loss = -jnp.mean(sel)
    return (y_preds, loss, x_edges_values)

if __name__ == "__main__":
    import jax
    _d = setup_inputs()
    print(jax.jit(kernel)(*tuple(_d.values())))

</pallas_src>

<mosaic_0001>
module attributes {stable_mosaic.version = 14 : i64} {
  func.func @_fused_kernel(%arg0: i32, %arg1: i32, %arg2: memref<1x1x1024xf32, #tpu.memory_space<vmem>>, %arg3: memref<1x1x512xi32, #tpu.memory_space<vmem>>, %arg4: memref<1x1x512xi32, #tpu.memory_space<vmem>>, %arg5: memref<1x2x1024xf32, #tpu.memory_space<vmem>>, %arg6: memref<1x1024x1024xf32, #tpu.memory_space<vmem>>, %arg7: memref<1x512x1024xf32, #tpu.memory_space<vmem>>, %arg8: memref<7xf32, #tpu.memory_space<smem>>, %arg9: memref<1x256x1024xf32, #tpu.memory_space<vmem>>, %arg10: memref<1x256x512xf32, #tpu.memory_space<vmem>>, %arg11: memref<1x1xf32, #tpu.memory_space<smem>>) attributes {dimension_semantics = [#tpu.dimension_semantics<arbitrary>, #tpu.dimension_semantics<arbitrary>], iteration_bounds = array<i64: 32, 2>, scalar_prefetch = 0 : i64, scratch_operands = 0 : i64, tpu.core_type = #tpu.core_type<tc>, window_params = [{transform_indices = @transform_0, window_bounds = array<i64: 1, 1, 1024>}, {transform_indices = @transform_1, window_bounds = array<i64: 1, 1, 512>}, {transform_indices = @transform_2, window_bounds = array<i64: 1, 1, 512>}, {pipeline_mode = #tpu.pipeline_mode<synchronous>, transform_indices = @transform_3, window_bounds = array<i64: 1, 2, 1024>}, {pipeline_mode = #tpu.pipeline_mode<synchronous>, transform_indices = @transform_4, window_bounds = array<i64: 1, 1024, 1024>}, {pipeline_mode = #tpu.pipeline_mode<synchronous>, transform_indices = @transform_5, window_bounds = array<i64: 1, 512, 1024>}, {transform_indices = @transform_6, window_bounds = array<i64: 7>}, {transform_indices = @transform_7, window_bounds = array<i64: 1, 256, 1024>}, {transform_indices = @transform_8, window_bounds = array<i64: 1, 256, 512>}, {transform_indices = @transform_9, window_bounds = array<i64: 1, 1>}]} {
    %get3A = arith.constant 0 : index
    %get3A_0 = memref.load %arg8[%get3A] : memref<7xf32, #tpu.memory_space<smem>>
    %get3A_1 = arith.constant 1 : index
    %get3A_2 = memref.load %arg8[%get3A_1] : memref<7xf32, #tpu.memory_space<smem>>
    %get3A_3 = arith.constant 2 : index
    %get3A_4 = memref.load %arg8[%get3A_3] : memref<7xf32, #tpu.memory_space<smem>>
    %get3A_5 = arith.constant 3 : index
    %get3A_6 = memref.load %arg8[%get3A_5] : memref<7xf32, #tpu.memory_space<smem>>
    %get3A_7 = arith.constant 4 : index
    %get3A_8 = memref.load %arg8[%get3A_7] : memref<7xf32, #tpu.memory_space<smem>>
    %get3A_9 = arith.constant 5 : index
    %get3A_10 = memref.load %arg8[%get3A_9] : memref<7xf32, #tpu.memory_space<smem>>
    %get3A_11 = arith.constant 6 : index
    %get3A_12 = memref.load %arg8[%get3A_11] : memref<7xf32, #tpu.memory_space<smem>>
    %get3A_13 = arith.constant 0 : index
    %get3A_14 = arith.constant 0 : index
    %get3A_15 = arith.constant 0 : index
    %get3A_16 = vector.load %arg2[%get3A_13, %get3A_14, %get3A_15] : memref<1x1x1024xf32, #tpu.memory_space<vmem>>, vector<1x1x1024xf32>
    %get3A_17 = vector.shape_cast %get3A_16 : vector<1x1x1024xf32> to vector<1x1024xf32>
    %get3A_18 = arith.constant 0 : index
    %get3A_19 = arith.constant 0 : index
    %get3A_20 = arith.constant 0 : index
    %get3A_21 = vector.load %arg5[%get3A_18, %get3A_19, %get3A_20] : memref<1x2x1024xf32, #tpu.memory_space<vmem>>, vector<1x1x1024xf32>
    %get3A_22 = vector.shape_cast %get3A_21 : vector<1x1x1024xf32> to vector<1x1024xf32>
    %get3A_23 = arith.constant 0 : index
    %get3A_24 = arith.constant 1 : index
    %get3A_25 = arith.constant 0 : index
    %get3A_26 = vector.load %arg5[%get3A_23, %get3A_24, %get3A_25] : memref<1x2x1024xf32, #tpu.memory_space<vmem>>, vector<1x1x1024xf32>
    %get3A_27 = vector.shape_cast %get3A_26 : vector<1x1x1024xf32> to vector<1x1024xf32>
    %get3A_28 = arith.constant 0 : index
    %get3A_29 = arith.constant 0 : index
    %get3A_30 = arith.constant 0 : index
    %get3A_31 = vector.load %arg6[%get3A_28, %get3A_29, %get3A_30] : memref<1x1024x1024xf32, #tpu.memory_space<vmem>>, vector<1x1024x1024xf32>
    %get3A_32 = vector.shape_cast %get3A_31 : vector<1x1024x1024xf32> to vector<1024x1024xf32>
    %get3A_33 = arith.constant 0 : index
    %get3A_34 = arith.constant 0 : index
    %get3A_35 = arith.constant 0 : index
    %get3A_36 = vector.load %arg7[%get3A_33, %get3A_34, %get3A_35] : memref<1x512x1024xf32, #tpu.memory_space<vmem>>, vector<1x512x1024xf32>
    %get3A_37 = vector.shape_cast %get3A_36 : vector<1x512x1024xf32> to vector<512x1024xf32>
    %dot_general3A = arith.constant dense<0.000000e+00> : vector<1x1024xf32>
    %dot_general3A_38 = tpu.matmul %get3A_17, %get3A_32, %dot_general3A {dimension_numbers = #tpu.dot_dimension_numbers<[1], [0], [0], [1], [0, 0, 1, 1], [], []>, transpose_lhs_hint = false} : vector<1x1024xf32>, vector<1024x1024xf32>, vector<1x1024xf32> -> vector<1x1024xf32>
    %slice3A = vector.extract_strided_slice %dot_general3A_38 {offsets = [0, 0], sizes = [1, 512], strides = [1, 1]} : vector<1x1024xf32> to vector<1x512xf32>
    %slice3A_39 = vector.extract_strided_slice %dot_general3A_38 {offsets = [0, 512], sizes = [1, 512], strides = [1, 1]} : vector<1x1024xf32> to vector<1x512xf32>
    %transpose3A = tpu.transpose %slice3A, [1, 0] : vector<1x512xf32> -> vector<512x1xf32>
    %transpose3A_40 = tpu.transpose %slice3A_39, [1, 0] : vector<1x512xf32> -> vector<512x1xf32>
    %iota3A = tpu.iota {dimensions = array<i32: 0>} : vector<256x512xi32>
    %mul3A = arith.constant 256 : i32
    %mul3A_41 = arith.muli %arg1, %mul3A : i32
    %add3A = vector.broadcast %mul3A_41 : i32 to vector<256x512xi32>
    %add3A_42 = arith.addi %iota3A, %add3A : vector<256x512xi32>
    %iota3A_43 = tpu.iota {dimensions = array<i32: 1>} : vector<256x512xi32>
    %eq3A = arith.cmpi eq, %add3A_42, %iota3A_43 : vector<256x512xi32>
    %convert_element_type3A = arith.extui %eq3A : vector<256x512xi1> to vector<256x512xi32>
    %convert_element_type3A_44 = arith.sitofp %convert_element_type3A : vector<256x512xi32> to vector<256x512xf32>
    %dot_general3A_45 = arith.constant dense<0.000000e+00> : vector<256x1xf32>
    %dot_general3A_46 = tpu.matmul %convert_element_type3A_44, %transpose3A, %dot_general3A_45 {dimension_numbers = #tpu.dot_dimension_numbers<[1], [0], [0], [1], [0, 0, 1, 1], [], []>, transpose_lhs_hint = false} : vector<256x512xf32>, vector<512x1xf32>, vector<256x1xf32> -> vector<256x1xf32>
    %dot_general3A_47 = arith.constant dense<0.000000e+00> : vector<256x1xf32>
    %dot_general3A_48 = tpu.matmul %convert_element_type3A_44, %transpose3A_40, %dot_general3A_47 {dimension_numbers = #tpu.dot_dimension_numbers<[1], [0], [0], [1], [0, 0, 1, 1], [], []>, transpose_lhs_hint = false} : vector<256x512xf32>, vector<512x1xf32>, vector<256x1xf32> -> vector<256x1xf32>
    %sub3A = vector.broadcast %dot_general3A_46 : vector<256x1xf32> to vector<256x512xf32>
    %sub3A_49 = vector.broadcast %slice3A : vector<1x512xf32> to vector<256x512xf32>
    %sub3A_50 = arith.subf %sub3A, %sub3A_49 : vector<256x512xf32>
    %sub3A_51 = vector.broadcast %dot_general3A_48 : vector<256x1xf32> to vector<256x512xf32>
    %sub3A_52 = vector.broadcast %slice3A_39 : vector<1x512xf32> to vector<256x512xf32>
    %sub3A_53 = arith.subf %sub3A_51, %sub3A_52 : vector<256x512xf32>
    %mul3A_54 = arith.mulf %sub3A_50, %sub3A_50 : vector<256x512xf32>
    %mul3A_55 = arith.mulf %sub3A_53, %sub3A_53 : vector<256x512xf32>
    %add3A_56 = arith.addf %mul3A_54, %mul3A_55 : vector<256x512xf32>
    %sqrt3A = math.sqrt %add3A_56 : vector<256x512xf32>
    %swap3A = arith.constant 0 : index
    %swap3A_57 = arith.constant 0 : index
    %swap3A_58 = arith.constant 0 : index
    %swap3A_59 = vector.load %arg10[%swap3A, %swap3A_57, %swap3A_58] : memref<1x256x512xf32, #tpu.memory_space<vmem>>, vector<1x256x512xf32>
    %swap3A_60 = vector.shape_cast %swap3A_59 : vector<1x256x512xf32> to vector<256x512xf32>
    %swap3A_61 = vector.shape_cast %sqrt3A : vector<256x512xf32> to vector<1x256x512xf32>
    tpu.vector_store %arg10[%swap3A, %swap3A_57, %swap3A_58], %swap3A_61 {strides = array<i32>} : memref<1x256x512xf32, #tpu.memory_space<vmem>>, vector<1x256x512xf32>,
    %mul3A_62 = vector.broadcast %get3A_0 : f32 to vector<1x512xf32>
    %mul3A_63 = arith.mulf %slice3A, %mul3A_62 : vector<1x512xf32>
    %mul3A_64 = vector.broadcast %get3A_2 : f32 to vector<1x512xf32>
    %mul3A_65 = arith.mulf %slice3A_39, %mul3A_64 : vector<1x512xf32>
    %add3A_66 = arith.addf %mul3A_63, %mul3A_65 : vector<1x512xf32>
    %add3A_67 = vector.broadcast %get3A_4 : f32 to vector<1x512xf32>
    %add3A_68 = arith.addf %add3A_66, %add3A_67 : vector<1x512xf32>
    %mul3A_69 = vector.broadcast %get3A_0 : f32 to vector<256x1xf32>
    %mul3A_70 = arith.mulf %dot_general3A_46, %mul3A_69 : vector<256x1xf32>
    %mul3A_71 = vector.broadcast %get3A_2 : f32 to vector<256x1xf32>
    %mul3A_72 = arith.mulf %dot_general3A_48, %mul3A_71 : vector<256x1xf32>
    %add3A_73 = arith.addf %mul3A_70, %mul3A_72 : vector<256x1xf32>
    %add3A_74 = vector.broadcast %get3A_4 : f32 to vector<256x1xf32>
    %add3A_75 = arith.addf %add3A_73, %add3A_74 : vector<256x1xf32>
    %dot_general3A_76 = arith.constant dense<0.000000e+00> : vector<1x1024xf32>
    %dot_general3A_77 = tpu.matmul %add3A_68, %get3A_37, %dot_general3A_76 {dimension_numbers = #tpu.dot_dimension_numbers<[1], [0], [0], [1], [0, 0, 1, 1], [], []>, transpose_lhs_hint = false} : vector<1x512xf32>, vector<512x1024xf32>, vector<1x1024xf32> -> vector<1x1024xf32>
    %dot_general3A_78 = arith.constant dense<0.000000e+00> : vector<256x1024xf32>
    %dot_general3A_79 = tpu.matmul %sqrt3A, %get3A_37, %dot_general3A_78 {dimension_numbers = #tpu.dot_dimension_numbers<[1], [0], [0], [1], [0, 0, 1, 1], [], []>, transpose_lhs_hint = false} : vector<256x512xf32>, vector<512x1024xf32>, vector<256x1024xf32> -> vector<256x1024xf32>
    %mul3A_80 = vector.broadcast %get3A_22 : vector<1x1024xf32> to vector<256x1024xf32>
    %mul3A_81 = arith.mulf %dot_general3A_79, %mul3A_80 : vector<256x1024xf32>
    %add3A_82 = arith.addf %get3A_27, %dot_general3A_77 : vector<1x1024xf32>
    %add3A_83 = vector.broadcast %add3A_82 : vector<1x1024xf32> to vector<256x1024xf32>
    %add3A_84 = arith.addf %mul3A_81, %add3A_83 : vector<256x1024xf32>
    %add3A_85 = vector.broadcast %add3A_75 : vector<256x1xf32> to vector<256x1024xf32>
    %add3A_86 = arith.addf %add3A_84, %add3A_85 : vector<256x1024xf32>
    %swap3A_87 = arith.constant 0 : index
    %swap3A_88 = arith.constant 0 : index
    %swap3A_89 = arith.constant 0 : index
    %swap3A_90 = vector.load %arg9[%swap3A_87, %swap3A_88, %swap3A_89] : memref<1x256x1024xf32, #tpu.memory_space<vmem>>, vector<1x256x1024xf32>
    %swap3A_91 = vector.shape_cast %swap3A_90 : vector<1x256x1024xf32> to vector<256x1024xf32>
    %swap3A_92 = vector.shape_cast %add3A_86 : vector<256x1024xf32> to vector<1x256x1024xf32>
    tpu.vector_store %arg9[%swap3A_87, %swap3A_88, %swap3A_89], %swap3A_92 {strides = array<i32>} : memref<1x256x1024xf32, #tpu.memory_space<vmem>>, vector<1x256x1024xf32>,
    %get3A_93 = arith.constant 0 : index
    %get3A_94 = arith.constant 0 : index
    %get3A_95 = arith.constant 0 : index
    %get3A_96 = vector.load %arg3[%get3A_93, %get3A_94, %get3A_95] : memref<1x1x512xi32, #tpu.memory_space<vmem>>, vector<1x1x512xi32>
    %get3A_97 = vector.shape_cast %get3A_96 : vector<1x1x512xi32> to vector<512xi32>
    %get3A_98 = arith.constant 0 : index
    %get3A_99 = arith.constant 0 : index
    %get3A_100 = arith.constant 0 : index
    %get3A_101 = vector.load %arg4[%get3A_98, %get3A_99, %get3A_100] : memref<1x1x512xi32, #tpu.memory_space<vmem>>, vector<1x1x512xi32>
    %get3A_102 = vector.shape_cast %get3A_101 : vector<1x1x512xi32> to vector<512xi32>
    %iota3A_103 = tpu.iota {dimensions = array<i32: 1>} : vector<512x512xi32>
    %iota3A_104 = tpu.iota {dimensions = array<i32: 1>} : vector<512x256xi32>
    %mul3A_105 = arith.constant 256 : i32
    %mul3A_106 = arith.muli %arg1, %mul3A_105 : i32
    %add3A_107 = vector.broadcast %mul3A_106 : i32 to vector<512x256xi32>
    %add3A_108 = arith.addi %iota3A_104, %add3A_107 : vector<512x256xi32>
    %broadcast_in_dim3A = vector.shape_cast %get3A_97 : vector<512xi32> to vector<512x1xi32>
    %eq3A_109 = vector.broadcast %broadcast_in_dim3A : vector<512x1xi32> to vector<512x512xi32>
    %eq3A_110 = arith.cmpi eq, %eq3A_109, %iota3A_103 : vector<512x512xi32>
    %convert_element_type3A_111 = arith.extui %eq3A_110 : vector<512x512xi1> to vector<512x512xi32>
    %convert_element_type3A_112 = arith.sitofp %convert_element_type3A_111 : vector<512x512xi32> to vector<512x512xf32>
    %convert_element_type3A_113 = arith.truncf %convert_element_type3A_112 : vector<512x512xf32> to vector<512x512xbf16>
    %broadcast_in_dim3A_114 = vector.shape_cast %get3A_102 : vector<512xi32> to vector<512x1xi32>
    %eq3A_115 = vector.broadcast %broadcast_in_dim3A_114 : vector<512x1xi32> to vector<512x512xi32>
    %eq3A_116 = arith.cmpi eq, %eq3A_115, %iota3A_103 : vector<512x512xi32>
    %convert_element_type3A_117 = arith.extui %eq3A_116 : vector<512x512xi1> to vector<512x512xi32>
    %convert_element_type3A_118 = arith.sitofp %convert_element_type3A_117 : vector<512x512xi32> to vector<512x512xf32>
    %convert_element_type3A_119 = arith.truncf %convert_element_type3A_118 : vector<512x512xf32> to vector<512x512xbf16>
    %broadcast_in_dim3A_120 = vector.shape_cast %get3A_97 : vector<512xi32> to vector<512x1xi32>
    %eq3A_121 = vector.broadcast %broadcast_in_dim3A_120 : vector<512x1xi32> to vector<512x256xi32>
    %eq3A_122 = arith.cmpi eq, %eq3A_121, %add3A_108 : vector<512x256xi32>
    %convert_element_type3A_123 = arith.extui %eq3A_122 : vector<512x256xi1> to vector<512x256xi32>
    %convert_element_type3A_124 = arith.sitofp %convert_element_type3A_123 : vector<512x256xi32> to vector<512x256xf32>
    %convert_element_type3A_125 = arith.truncf %convert_element_type3A_124 : vector<512x256xf32> to vector<512x256xbf16>
    %broadcast_in_dim3A_126 = vector.shape_cast %get3A_102 : vector<512xi32> to vector<512x1xi32>
    %eq3A_127 = vector.broadcast %broadcast_in_dim3A_126 : vector<512x1xi32> to vector<512x256xi32>
    %eq3A_128 = arith.cmpi eq, %eq3A_127, %add3A_108 : vector<512x256xi32>
    %convert_element_type3A_129 = arith.extui %eq3A_128 : vector<512x256xi1> to vector<512x256xi32>
    %convert_element_type3A_130 = arith.sitofp %convert_element_type3A_129 : vector<512x256xi32> to vector<512x256xf32>
    %convert_element_type3A_131 = arith.truncf %convert_element_type3A_130 : vector<512x256xf32> to vector<512x256xbf16>
    %dot_general3A_132 = arith.constant dense<0.000000e+00> : vector<256x512xf32>
    %dot_general3A_133 = tpu.matmul %convert_element_type3A_125, %convert_element_type3A_119, %dot_general3A_132 {dimension_numbers = #tpu.dot_dimension_numbers<[0], [0], [1], [1], [0, 1, 1, 1], [], []>, transpose_lhs_hint = false} : vector<512x256xbf16>, vector<512x512xbf16>, vector<256x512xf32> -> vector<256x512xf32>
    %dot_general3A_134 = arith.constant dense<0.000000e+00> : vector<256x512xf32>
    %dot_general3A_135 = tpu.matmul %convert_element_type3A_131, %convert_element_type3A_113, %dot_general3A_134 {dimension_numbers = #tpu.dot_dimension_numbers<[0], [0], [1], [1], [0, 1, 1, 1], [], []>, transpose_lhs_hint = false} : vector<512x256xbf16>, vector<512x512xbf16>, vector<256x512xf32> -> vector<256x512xf32>
    %add3A_136 = arith.addf %dot_general3A_133, %dot_general3A_135 : vector<256x512xf32>
    %gt3A = arith.constant 0.000000e+00 : f32
    %gt3A_137 = vector.broadcast %gt3A : f32 to vector<256x512xf32>
    %gt3A_138 = arith.cmpf ogt, %add3A_136, %gt3A_137 : vector<256x512xf32>
    %mul3A_139 = vector.broadcast %get3A_6 : f32 to vector<256x512xf32>
    %mul3A_140 = arith.mulf %sqrt3A, %mul3A_139 : vector<256x512xf32>
    %add3A_141 = vector.broadcast %get3A_10 : f32 to vector<256x512xf32>
    %add3A_142 = arith.addf %mul3A_140, %add3A_141 : vector<256x512xf32>
    %mul3A_143 = vector.broadcast %get3A_8 : f32 to vector<256x512xf32>
    %mul3A_144 = arith.mulf %sqrt3A, %mul3A_143 : vector<256x512xf32>
    %add3A_145 = vector.broadcast %get3A_12 : f32 to vector<256x512xf32>
    %add3A_146 = arith.addf %mul3A_144, %add3A_145 : vector<256x512xf32>
    %max3A = arith.maximumf %add3A_142, %add3A_146 : vector<256x512xf32>
    %min3A = arith.minimumf %add3A_142, %add3A_146 : vector<256x512xf32>
    %sub3A_147 = arith.subf %min3A, %max3A : vector<256x512xf32>
    %exp3A = math.exp %sub3A_147 : vector<256x512xf32>
    %log1p3A = math.log1p %exp3A : vector<256x512xf32>
    %add3A_148 = arith.addf %max3A, %log1p3A : vector<256x512xf32>
    %select_n3A = arith.select %gt3A_138, %add3A_146, %add3A_142 : vector<256x512xi1>, vector<256x512xf32>
    %sub3A_149 = arith.subf %select_n3A, %add3A_148 : vector<256x512xf32>
    %eq3A_150 = arith.constant 0 : i32
    %eq3A_151 = arith.cmpi eq, %arg0, %eq3A_150 : i32
    %eq3A_152 = arith.constant 0 : i32
    %eq3A_153 = arith.cmpi eq, %arg1, %eq3A_152 : i32
    %and3A = arith.andi %eq3A_151, %eq3A_153 : i1
    %convert_element_type3A_154 = arith.extui %and3A : i1 to i32
    %cond3A = arith.constant 0 : i32
    %cond3A_155 = arith.cmpi ne, %convert_element_type3A_154, %cond3A : i32
    scf.if %cond3A_155 {
      %swap3A_167 = arith.constant 0.000000e+00 : f32
      %swap3A_168 = arith.constant 0 : index
      %swap3A_169 = arith.constant 0 : index
      %swap3A_170 = memref.load %arg11[%swap3A_168, %swap3A_169] : memref<1x1xf32, #tpu.memory_space<smem>>
      memref.store %swap3A_167, %arg11[%swap3A_168, %swap3A_169] : memref<1x1xf32, #tpu.memory_space<smem>>
    } else {
    }
    %get3A_156 = arith.constant 0 : index
    %get3A_157 = arith.constant 0 : index
    %get3A_158 = memref.load %arg11[%get3A_156, %get3A_157] : memref<1x1xf32, #tpu.memory_space<smem>>
    %reduce_sum3A = vector.shape_cast %sub3A_149 : vector<256x512xf32> to vector<1x256x512xf32>
    %reduce_sum3A_159 = arith.constant dense<0.000000e+00> : vector<1xf32>
    %reduce_sum3A_160 = vector.multi_reduction <add>, %reduce_sum3A, %reduce_sum3A_159 [1, 2] : vector<1x256x512xf32> to vector<1xf32>
    %reduce_sum3A_161 = vector.shape_cast %reduce_sum3A_160 : vector<1xf32> to vector<1x1x1xf32>
    %reduce_sum3A_162 = vector.extract %reduce_sum3A_161[0, 0, 0] : f32 from vector<1x1x1xf32>
    %add3A_163 = arith.addf %get3A_158, %reduce_sum3A_162 : f32
    %swap3A_164 = arith.constant 0 : index
    %swap3A_165 = arith.constant 0 : index
    %swap3A_166 = memref.load %arg11[%swap3A_164, %swap3A_165] : memref<1x1xf32, #tpu.memory_space<smem>>
    memref.store %add3A_163, %arg11[%swap3A_164, %swap3A_165] : memref<1x1xf32, #tpu.memory_space<smem>>
    return
  }
  func.func @transform_0(%arg0: i32, %arg1: i32) -> (i32, i32, i32) {
    %c0_i32 = arith.constant 0 : i32
    %c0_i32_0 = arith.constant 0 : i32
    %c0_i32_1 = arith.constant 0 : i32
    return %arg0, %c0_i32, %c0_i32_0 : i32, i32, i32
  }
  func.func @transform_1(%arg0: i32, %arg1: i32) -> (i32, i32, i32) {
    %c0_i32 = arith.constant 0 : i32
    %c0_i32_0 = arith.constant 0 : i32
    %c0_i32_1 = arith.constant 0 : i32
    return %arg0, %c0_i32, %c0_i32_0 : i32, i32, i32
  }
  func.func @transform_2(%arg0: i32, %arg1: i32) -> (i32, i32, i32) {
    %c0_i32 = arith.constant 0 : i32
    %c0_i32_0 = arith.constant 0 : i32
    %c0_i32_1 = arith.constant 0 : i32
    return %arg0, %c0_i32, %c0_i32_0 : i32, i32, i32
  }
  func.func @transform_3(%arg0: i32, %arg1: i32) -> (i32, i32, i32) {
    %c0_i32 = arith.constant 0 : i32
    %c0_i32_0 = arith.constant 0 : i32
    %c0_i32_1 = arith.constant 0 : i32
    %c0_i32_2 = arith.constant 0 : i32
    return %c0_i32, %c0_i32_0, %c0_i32_1 : i32, i32, i32
  }
  func.func @transform_4(%arg0: i32, %arg1: i32) -> (i32, i32, i32) {
    %c0_i32 = arith.constant 0 : i32
    %c0_i32_0 = arith.constant 0 : i32
    %c0_i32_1 = arith.constant 0 : i32
    %c0_i32_2 = arith.constant 0 : i32
    return %c0_i32, %c0_i32_0, %c0_i32_1 : i32, i32, i32
  }
  func.func @transform_5(%arg0: i32, %arg1: i32) -> (i32, i32, i32) {
    %c0_i32 = arith.constant 0 : i32
    %c0_i32_0 = arith.constant 0 : i32
    %c0_i32_1 = arith.constant 0 : i32
    %c0_i32_2 = arith.constant 0 : i32
    return %c0_i32, %c0_i32_0, %c0_i32_1 : i32, i32, i32
  }
  func.func @transform_6(%arg0: i32, %arg1: i32) -> i32 {
    %c0_i32 = arith.constant 0 : i32
    %c0_i32_0 = arith.constant 0 : i32
    return %c0_i32 : i32
  }
  func.func @transform_7(%arg0: i32, %arg1: i32) -> (i32, i32, i32) {
    %c0_i32 = arith.constant 0 : i32
    %c0_i32_0 = arith.constant 0 : i32
    return %arg0, %arg1, %c0_i32 : i32, i32, i32
  }
  func.func @transform_8(%arg0: i32, %arg1: i32) -> (i32, i32, i32) {
    %c0_i32 = arith.constant 0 : i32
    %c0_i32_0 = arith.constant 0 : i32
    return %arg0, %arg1, %c0_i32 : i32, i32, i32
  }
  func.func @transform_9(%arg0: i32, %arg1: i32) -> (i32, i32) {
    %c0_i32 = arith.constant 0 : i32
    %c0_i32_0 = arith.constant 0 : i32
    %c0_i32_1 = arith.constant 0 : i32
    return %c0_i32, %c0_i32_0 : i32, i32
  }
}

</mosaic_0001>

<sc_bundles>
// kernel: sparse-core-data-format-call.cloned.1.call-start
scs
called_computation_lowered:
.L_overlay_start_0:
0x0: {  	s2 =	sld [smem:$0x3FD9]  }
0x1: {  	s3 =	sld [smem:$0x3FFE];
	_ =	sdelay $0x1  }
0x2: {  	s1 =	srdreg.scid  }
0x3: {  	s0 =	sand.u32 $0x1, s1  }
0x4: {  	s15 =	sshll.u32 s0, $0xA;
	s2 =	sadd.s32 s3, s2  }
0x5: {  	s2 =	sadd.s32 s2, s15  }
0x6: {  	[smem:$0x3FC2] =	sst s2  }
0x7: {  	_ = 	snop  }
0x8: {  	s2 =	sld [smem:$0x3FD0];
	_ =	sdelay $0x2  }
0x9: {  	s16 =	simm.s32 $0xA;
	s4 =	simm.s32 $0x10  }
0xa: {  	[smem:s4], [sflag:s16] =	dma.local [hbm:s2], $0x1  }
0xb: {  	_ =	swait.eq [sflag:s16], $0x1  }
0xc: {  	[sflag:s16] =	ssyncset.done $0x0  }
0xd: {  	[sflag:s16] =	ssyncadd.s32 $0xFFFFFFFF  }
0xe: {  	s17 =	sld [smem:$0x10];
	(tm) =	ssettm $0x1  }
0xf: {  	s18 =	sld [smem:$0x3FFB];
	_ =	sdelay $0x3  }
0x10: {  	_ =	strace s18  }
0x11: {  	s3 =	sld [smem:$0x3FFC];
	_ =	sdelay $0x3  }
0x12: {  	_ =	strace s3  }
0x13: {  	s3 =	sld [smem:$0x3FFD];
	_ =	sdelay $0x3  }
0x14: {  	_ =	strace s3  }
0x15: {  	_ =	strace $0x8FFFFFFF  }
0x16: {  	s19 =	sld [smem:$0x3FDB];
	_ =	sdelay $0x1  }
0x17: {  	s20 =	simm.s32 $_scs_section_size  }
0x18: {  	s5 =	simm.s32 $_size__tile_overlayer_lowered;
	s6 =	simm.s32 $_tile_overlayer_lowered  }
0x19: {  	s23 =	simm.s32 $0x1BFF;
	s22 =	sshll.u32 s6, $0x1;
	s3 =	sadd.s32 s20, s19  }
0x1a: {  	s7 =	simm.s32 $0x0;
	s21 =	sshll.u32 s5, $0x1;
	s5 =	sadd.s32 s22, s3  }
0x1b: {  	[timem:s7], [sflag:s23] =	dma.local [hbm:s5], s21  }
0x1c: {  	_ =	swait.ge [sflag:s23], s21  }
0x1d: {  	s4 =	ssub.s32 $0x0, s21;
	[sflag:s23] =	ssyncset.done $0x0  }
0x1e: {  	[sflag:s23] =	ssyncadd.s32 s4;
	_ =	sdelay $0x1  }
0x1f: {  	s24 =	simm.s32 $0x1B8B  }
0x20: {  	_ =	swait.ge [sflag:s24], $0x1  }
0x21: {  	[sflag:s24] =	ssyncset.done $0x0  }
0x22: {  	s26 =	simm.s32 $0x1B8E;
	s25 =	sld [smem:$0x3FFE];
	[sflag:s24] =	ssyncadd.s32 $0xFFFFFFFF  }
0x23: {  	s27 =	simm.s32 $execute0_lowered;
	[smem:$0x3FD2] =	sst s26  }
0x24: {  	s5 =	sshll.u32 s27, $0x1;
	_ =	strace $0x80000046;
	[dreg:$0x1] =	wrdreg $0xFFFFFFFF  }
0x25: {  	s28 =	simm.s32 $_size_execute0_lowered;
	s3 =	sadd.s32 s3, s5;
	[dreg:$0x0] =	wrdreg $0x0  }
0x26: {  	s5 =	sshll.u32 s28, $0x1;
	[dreg:$0x2] =	wrdreg s3  }
0x27: {  	[dreg:$0x3] =	wrdreg s5  }
0x28: {  	[dreg:$0x4] =	wrdreg $0xC0  }
0x29: {  	_ =	task [dreg:s7], $0x5FFFF  }
0x2a: {  	[dreg:$0x1] =	wrdreg $0xFFFFFFFF  }
0x2b: {  	[dreg:$0x0] =	wrdreg $0x60  }
0x2c: {  	[dreg:$0x2] =	wrdreg s25  }
0x2d: {  	[dreg:$0x3] =	wrdreg s17  }
0x2e: {  	[dreg:$0x4] =	wrdreg $0x9  }
0x2f: {  	_ =	task.clear_ibuf [dreg:s7], $0x5FFFF;
	_ =	strace $0x90000046  }
0x30: {  	s29 =	simm.s32 $0x9;
	_ =	strace $0x80000048  }
0x31: {  	_ =	swait.ge [sflag:s29], $0x1  }
0x32: {  	[sflag:s29] =	ssyncadd.s32 $0xFFFFFFFF  }
0x33: {  	_ =	strace $0x90000048  }
0x34: {  	_ =	sfence  }
0x35: {  	s30 =	sld [smem:$0x0];
	_ =	sdelay $0x2  }
0x36: {  	s31 =	sshll.u32 s1, $0xD;
	s1 =	sshrl.u32 s1, $0x2  }
0x37: {  	s3 =	sand.u32 $0x4000, s31;
	s1 =	sadd.s32 s1, s30  }
0x38: {  	s0 =	sor.u32 s3, s0;
	s1 =	sshll.u32 s1, $0x11  }
0x39: {  	s0 =	sor.u32 s1, s0  }
0x3a: {  	s0 =	sadd.s32 $0x8F2B, s0  }
0x3b: {  	[sflag:s0] =	ssyncadd.remote.s32 $0x1  }
0x3c: {  	_ =	sfence.sel $0xFFFF  }
0x3d: {  	[dreg:$0x0] =	wrdreg $0xFFFFFFFF;
	(pc) =	sbr.abs _section_cstart, $3  }
0x3e: {  	[dreg:$0x1] =	wrdreg $0xFFFFFFFF  }
0x3f: {  	_ =	task.clear_ibuf [dreg:s7], $0x2FFFF;
	_ =	strace $0x9FFFFFFF  }
0x40: {  	(tm) =	ssettm $0x7FFFFFFF  }
0x41: {  	_ =	shalt  }
tec
execute0_lowered:
.L_overlay_start_1:
0x0: {  	(tag) =	ssettag $0x1  }
0x1: {  	s3 =	rddreg [dreg:$0x0]  }
0x2: {  	s2 =	rddreg [dreg:$0x1];
	s1 =	stileid.u32  }
0x3: {  	s0 =	rddreg [dreg:$0x2];
	_ =	strace $0x80000047;
	s6 =	srdreg.scid  }
0x4: {  	s31 =	simm.s32 $0x2;
	s16 =	simm.s32 $0x0;
	s18 =	simm.s32 $0x0  }
0x5: {  	s19 =	simm.s32 $0x0;
	s17 =	simm.s32 $0x0;
	s11 =	simm.s32 $0x0  }
0x6: {  	s15 =	simm.s32 $0x0;
	s4 =	sshll.u32 s1, $0x7;
	s3 =	sadd.s32 $0xE00, s3  }
0x7: {  	s5 =	sshrl.u32 s1, $0x2;
	s6 =	sshll.u32 s6, $0x4;
	s4 =	sand.u32 $0x180, s4  }
0x8: {  	s5 =	sand.u32 $0x1, s5;
	s29 =	sand.u32 $0x10, s6;
	s7 =	ssub.s32 $0x200, s4  }
0x9: {  	s6 =	simm.s32 $0x1;
	s8 =	sshrl.u32 s7, $0x9;
	s7 =	sand.u32 $0x180, s7  }
0xa: {  	s9 =	ssub.s32 $0x2, s5;
	p0 =	sne.s32 s7, $0x0;
	s7 =	simm.s32 $0x1  }
0xb: {  	s10 =	sshrl.u32 s9, $0x1;
	s9 =	sand.u32 $0x1, s9;
	s7 =	simm.s32 @!p0 $0x0  }
.Ltmp0:
0xc: {  	s28 =	sadd.s32 s9, s10;
	s7 =	sadd.s32 s7, s8;
	(pc) =	sbr.rel .LBB1_1-.Ltmp0, $4  }
0xd: {  	s30 =	sor.u32 s1, s29;
	[sflag:s6] =	ssyncpa.u1 $0x0;
	s8 =	smul.u32 s7, s28  }
0xe: {  	s13 =	smov.u32 s5;
	s14 =	smov.u32 s4;
	[sflag:s31] =	ssyncpa.u1 $0x0  }
0xf: {  	s10 =	simm.s32 $0x400;
	s7 =	sshrl.u32 s30, $0x3;
	s8 =	sshll.u32 s8, $0x5  }
0x10: {  	p0 =	por $0x0, $0x0;
	s12 =	smov.u32 s7;
	s9 =	sor.u32 $0x1, s8  }
.LBB1_4:
0x11: {  	v5 =	vld [tilespmem:s23+$0xFFFFFFD0];
	[tilespmem:s22+$0x2040 ss:$0x81] =	vst.msk $0xffff, v1  }
0x12: {  	v58 =	vld [tilespmem:s23+$0xFFFFFFE0];
	[tilespmem:s22+$0x2850 ss:$0x81] =	vst.msk $0xffff, v2  }
0x13: {  	s24 =	sshra.s32 s24, $0x2;
	v59 =	vld [tilespmem:s23+$0xFFFFFFF0];
	[tilespmem:s22+$0x3060 ss:$0x81] =	vst.msk $0xffff, v3  }
0x14: {  	v60 =	vld [tilespmem:s23+$0x0];
	[tilespmem:s22+$0x0 ss:$0x81] =	vst.msk $0xffff, v0;
	s21 =	sadd.s32 s24, s21  }
0x15: {  	v61 =	vld [tilespmem:s23+$0x10];
	[tilespmem:s21+$0x3870 ss:$0x81] =	vst.msk $0xffff, v4  }
0x16: {  	v62 =	vld [tilespmem:s23+$0x20];
	s27 =	sshll.u32 s17, $0x1;
	s19 =	sshll.u32 s19, $0x7;
	[tilespmem:s21+$0x810 ss:$0x81] =	vst.msk $0xffff, v5  }
0x17: {  	v63 =	vld [tilespmem:s23+$0xFFFFFFC0];
	s28 =	sand.u32 $0x78, s17;
	s18 =	sshll.u32 s18, $0x10;
	s29 =	sshrl.u32 s17, $0x2;
	[tilespmem:s21+$0x1020 ss:$0x81] =	vst.msk $0xffff, v58  }
0x18: {  	s16 =	sshll.u32 s16, $0x7;
	s19 =	sand.u32 $0x80, s19;
	s22 =	sand.u32 $0x100, s27;
	[tilespmem:s21+$0x1830 ss:$0x81] =	vst.msk $0xffff, v59  }
0x19: {  	s30 =	sand.u32 $0x40, s29;
	s18 =	sadd.s32 s2, s18;
	s22 =	sor.u32 s28, s22;
	[tilespmem:s21+$0x2040 ss:$0x81] =	vst.msk $0xffff, v60  }
0x1a: {  	s31 =	sand.u32 $0x7, s17;
	s18 =	sadd.s32 s30, s18;
	s19 =	sor.u32 s19, s22;
	[tilespmem:s21+$0x2850 ss:$0x81] =	vst.msk $0xffff, v61  }
0x1b: {  	s17 =	sshll.u32 s31, $0x12;
	s16 =	sadd.s32 s16, s18;
	s19 =	sshrl.u32 s19, $0x3;
	[tilespmem:s21+$0x3060 ss:$0x81] =	vst.msk $0xffff, v62  }
0x1c: {  	s17 =	sor.u32 $0x80, s17;
	[tilespmem:s21+$0x0 ss:$0x81] =	vst.msk $0xffff, v63;
	s16 =	sadd.s32 s19, s16  }
0x1d: {  	[hbm4b:s16+s17] =	stream.strided.scatter [tilespmem:s20], [sflag:$0x2], $0x4000, s10, s17, $0x20;
	[tilespmem:$0x10100] =	vst v63  }
.LBB1_5:
0x1e: {  	s20 =	sadd.s32 $0x80, s11  }
0x1f: {  	s16 =	sadd.s32 $0x4, s12;
	s21 =	smov.u32 s12;
	p2 =	sgt.s32 s20, $0x1FF  }
0x20: {  	s21 =	smov.u32 @p2 s16  }
0x21: {  	s22 =	smov.u32 s13;
	s16 =	sadd.s32 $0x2, s13;
	p3 =	sgt.s32 s21, $0x1F  }
0x22: {  	s22 =	smov.u32 @p3 s16  }
0x23: {  	s23 =	smov.u32 s14;
	s16 =	sadd.s32 $0x200, s14;
	p4 =	sgt.s32 s22, $0x1  }
0x24: {  	p1 =	slt.u32 s15, $0x2;
	s23 =	smov.u32 @p4 s16  }
0x25: {  	s18 =	smov.u32 s12;
	s20 =	simm.s32 @p2 $0x0;
	p2 =	sgt.s32 s23, $0x1FF  }
0x26: {  	s24 =	simm.s32 @!p1 $0x2;
	s23 =	smov.u32 @p2 s4;
	p2 =	sne.s32 s15, s9  }
.Ltmp1:
0x27: {  	s19 =	smov.u32 s13;
	_ =	swait.ge @!p1 [sflag:s24], $0x4000;
	(pc) =	sbr.rel @!p2 .LBB1_6-.Ltmp1, $4  }
0x28: {  	s17 =	smov.u32 s14;
	[sflag:s24] =	ssyncset.done @!p1 $0x0;
	s21 =	smov.u32 @p3 s7  }
0x29: {  	p0 =	por !p0, !p0;
	[sflag:s24] =	ssyncadd.s32 @!p1 $0xFFFFC000;
	s12 =	smov.u32 s21  }
0x2a: {  	s22 =	smov.u32 @p4 s5;
	s16 =	smov.u32 s11;
	s11 =	smov.u32 s20  }
0x2b: {  	s13 =	smov.u32 s22;
	s15 =	sadd.s32 $0x1, s15;
	s14 =	smov.u32 s23  }
.LBB1_1:
0x2c: {  	p1 =	sge.u32 s15, s8;
	s31 =	sadd.s32 $0xFFFFFFFF, s15  }
0x2d: {  	s20 =	sxor.u32 @!p1 $0xFFFFFFFF, s15;
	s21 =	sand.u32 @!p1 $0x78, s11;
	s22 =	sshll.u32 @!p1 s12, $0x9  }
0x2e: {  	s23 =	sshll.u32 @!p1 s11, $0x3;
	s24 =	sshll.u32 @!p1 s12, $0x7;
	s20 =	sshll.u32 @!p1 s20, $0xE  }
0x2f: {  	s22 =	sand.u32 @!p1 $0x3000, s22;
	s23 =	sand.u32 @!p1 $0x3C00, s23;
	s20 =	sand.u32 @!p1 $0x4000, s20  }
0x30: {  	s22 =	sadd.s32 @!p1 s22, s23;
	s23 =	sand.u32 @!p1 $0x200, s24;
	s24 =	sand.u32 @!p1 $0x180, s24  }
0x31: {  	s22 =	sor.u32 @!p1 s23, s22;
	s21 =	sor.u32 @!p1 s21, s24;
	s23 =	sshll.u32 @!p1 s14, $0xC  }
0x32: {  	s24 =	sshll.u32 @!p1 s13, $0xB;
	s22 =	sshrl.u32 @!p1 s22, $0x3;
	s23 =	sadd.s32 @!p1 s3, s23  }
0x33: {  	s21 =	sshrl.u32 @!p1 s21, $0x3;
	s23 =	sadd.s32 @!p1 s24, s23;
	s24 =	sand.u32 @!p1 $0x7, s11  }
0x34: {  	s22 =	sand.u32 @!p1 $0x7C0, s22;
	s21 =	sadd.s32 @!p1 s21, s23;
	s23 =	sshll.u32 @!p1 s24, $0x12  }
0x35: {  	s21 =	sadd.s32 @!p1 s22, s21;
	s22 =	sor.u32 @!p1 $0x80, s23;
	s23 =	simm.s32 @!p1 $0x8000  }
0x36: {  	[tilespmem:s20], [sflag:$0x1] =	stream.strided.gather @!p1 [hbm4b:s21+s22], $0x4000, s23, s22, $0x38;
	[tilespmem:$0x10100] =	vst v63  }
0x37: {  	p1 =	sge.u32 s31, s8  }
.Ltmp2:
0x38: {  	_ = 	snop;
	(pc) =	sbr.rel @p1 .LBB1_5-.Ltmp2, $1  }
0x39: {  	_ =	sdelay $0x3  }
0x3a: {  	s20 =	simm.s32 $0x1  }
0x3b: {  	_ =	swait.ge [sflag:s6], $0x4000;
	s20 =	simm.s32 @!p0 $0x0  }
0x3c: {  	[sflag:s6] =	ssyncset.done $0x0;
	s21 =	sshll.u32 s20, $0xE  }
0x3d: {  	[sflag:s6] =	ssyncadd.s32 $0xFFFFC000;
	s23 =	sor.u32 $0x40, s21  }
0x3e: {  	s20 =	smul.u32 $0x10200, s20;
	v0 =	vld [tilespmem:s23+$0x30]  }
0x3f: {  	v3 =	vld [tilespmem:s23+$0xFFFFFFD0]  }
0x40: {  	s20 =	sshrl.u32 s20, $0x2;
	v4 =	vld [tilespmem:s23+$0xFFFFFFE0]  }
0x41: {  	v5 =	vld [tilespmem:s23+$0xFFFFFFF0];
	s21 =	sor.u32 $0x8000, s20  }
0x42: {  	s31 =	sand.u32 $0x1, s15;
	v1 =	vld [tilespmem:s23+$0x0];
	s22 =	sadd.s32 $0x0, s21  }
0x43: {  	v2 =	vld [tilespmem:s23+$0x10];
	s20 =	smul.u32 $0x10200, s31;
	[tilespmem:s22+$0x3870 ss:$0x81] =	vst.msk $0xffff, v0  }
0x44: {  	[tilespmem:s22+$0x810 ss:$0x81] =	vst.msk $0xffff, v3;
	v3 =	vld [tilespmem:s23+$0x20]  }
0x45: {  	s20 =	sshrl.u32 s20, $0x2;
	v0 =	vld [tilespmem:s23+$0xFFFFFFC0];
	[tilespmem:s22+$0x1020 ss:$0x81] =	vst.msk $0xffff, v4;
	s23 =	sadd.s32 $0x80, s23  }
0x46: {  	s24 =	simm.s32 $0x4;
	s25 =	simm.s32 $0x8;
	s20 =	sor.u32 $0x8000, s20;
	[tilespmem:s22+$0x1830 ss:$0x81] =	vst.msk $0xffff, v5;
	v4 =	vld [tilespmem:s23+$0x30]  }
.LBB1_3:
0x47: {  	p1 =	sne.s32 s25, $0x1FC;
	v5 =	vld [tilespmem:s23+$0xFFFFFFD0];
	[tilespmem:s22+$0x2040 ss:$0x81] =	vst.msk $0xffff, v1  }
0x48: {  	v6 =	vld [tilespmem:s23+$0xFFFFFFE0];
	[tilespmem:s22+$0x2850 ss:$0x81] =	vst.msk $0xffff, v2  }
0x49: {  	s26 =	sshra.s32 s24, $0x2;
	s24 =	smov.u32 s25;
	v7 =	vld [tilespmem:s23+$0xFFFFFFF0];
	[tilespmem:s22+$0x3060 ss:$0x81] =	vst.msk $0xffff, v3  }
.Ltmp3:
0x4a: {  	v1 =	vld [tilespmem:s23+$0x0];
	[tilespmem:s22+$0x0 ss:$0x81] =	vst.msk $0xffff, v0;
	s22 =	sadd.s32 s26, s21;
	(pc) =	sbr.rel @p1 .LBB1_3-.Ltmp3, $4  }
0x4b: {  	v2 =	vld [tilespmem:s23+$0x10];
	[tilespmem:s22+$0x3870 ss:$0x81] =	vst.msk $0xffff, v4  }
0x4c: {  	[tilespmem:s22+$0x810 ss:$0x81] =	vst.msk $0xffff, v5;
	v3 =	vld [tilespmem:s23+$0x20]  }
0x4d: {  	v0 =	vld [tilespmem:s23+$0xFFFFFFC0];
	[tilespmem:s22+$0x1020 ss:$0x81] =	vst.msk $0xffff, v6;
	s23 =	sadd.s32 $0x80, s23  }
0x4e: {  	s25 =	sadd.s32 $0x4, s25;
	v4 =	vld [tilespmem:s23+$0x30];
	[tilespmem:s22+$0x1830 ss:$0x81] =	vst.msk $0xffff, v7  }
.Ltmp4:
0x4f: {  	_ = 	snop;
	(pc) =	sbr.rel .LBB1_4-.Ltmp4, $1  }
0x50: {  	_ =	sdelay $0x3  }
.LBB1_6:
0x51: {  	_ =	sfence.sel $0x180000  }
0x52: {  	s2 =	simm.s32 $0x1;
	[bflag:$0x0] =	sbarrier.arrive $0xFFFF  }
0x53: {  	s31 =	simm.s32 $0x2;
	[sflag:s2] =	ssyncpa.u1 $0x1  }
0x54: {  	[sflag:s31] =	ssyncpa.u1 $0x1  }
0x55: {  	p0 =	sne.s32 s1, $0x0;
	_ =	strace $0x90000047  }
0x56: {  	s0 =	sadd.s32 @!p0 $0x100000, s0;
	[bflag:$0x2] =	sbarrier.arrive $0xFFFF  }
0x57: {  	[sflag:s0] =	ssyncadd.tile.s32 @!p0 $0x1;
	_ =	shalt  }
.Lfunc_end1:
_tile_overlayer_lowered:
.L_overlay_start_2:
0x58: {  	(tag) =	ssettag $0x2  }
0x59: {  	s0 =	rddreg [dreg:$0x0];
	s2 =	stileid.u32  }
0x5a: {  	s1 =	rddreg [dreg:$0x1];
	p0 =	sne.s32 s2, $0x0  }
0x5b: {  	s3 =	rddreg [dreg:$0x2];
	[bflag:$0x3] =	sbarrier.arrive $0xFFFF;
	s2 =	simm.s32 @!p0 $0x1C01  }
0x5c: {  	[timem:s3], [sflag:s2] =	dma.local @!p0 [hbm:s0], s1  }
0x5d: {  	s0 =	simm.s32 @!p0 $0x1  }
0x5e: {  	_ =	swait.ge @!p0 [sflag:s0], s1  }
0x5f: {  	s1 =	ssub.s32 @!p0 $0x0, s1;
	[sflag:s0] =	ssyncset.done @!p0 $0x0  }
0x60: {  	[sflag:s0] =	ssyncadd.s32 @!p0 s1  }
0x61: {  	[bflag:$0x3] =	sbarrier.arrive $0xFFFF  }
0x62: {  	_ =	shalt  }

</sc_bundles>
